<compile_context>
chip_gen: v7x
topology: tpu7x:2x2x1
jax: 0.10.2.dev20260603
libtpu: 0.0.44.dev20260713+nightly
codegen_flags: <defaults>
</compile_context>

<pallas_src>
import functools

import jax
import jax.numpy as jnp
from jax import lax
from jax.experimental import pallas as pl
from jax.experimental.pallas import tpu as pltpu
from jax.experimental.pallas import tpu_sc as plsc


def kernel(x, W, b):
    bs, regions, d = x.shape
    del W, b
    xt = jnp.transpose(x, (1, 0, 2))

    mesh = plsc.ScalarSubcoreMesh(axis_name="c")
    nbc = bs // 2

    @functools.partial(
        pl.kernel,
        mesh=mesh,
        out_type=jax.ShapeDtypeStruct((bs, d), x.dtype),
        scratch_types=[
            pltpu.VMEM_SHARED((bs // 2, d), x.dtype),
            pltpu.SemaphoreType.DMA,
            pltpu.SemaphoreType.DMA,
        ],
        compiler_params=pltpu.CompilerParams(use_tc_tiling_on_sc=True),
    )
    def first_region_gather(x_hbm, out_hbm, buf, sem_in, sem_out):
        cid = lax.axis_index("c")
        base = cid * nbc
        nch = 4
        rows = nbc // nch
        ins = [
            pltpu.async_copy(
                x_hbm.at[0, pl.ds(base + c * rows, rows)],
                buf.at[pl.ds(c * rows, rows)],
                sem_in,
            )
            for c in range(nch)
        ]
        outs = []
        for c in range(nch):
            ins[c].wait()
            outs.append(
                pltpu.async_copy(
                    buf.at[pl.ds(c * rows, rows)],
                    out_hbm.at[pl.ds(base + c * rows, rows)],
                    sem_out,
                )
            )
        for o in outs:
            o.wait()

    return first_region_gather(xt)

# --- scband reference (transcript-rebuilt; emitter-appended) ---
"""Pipeline reference for scband-hard-attention-25821343383598 (READ-ONLY COPY).

The authoritative reference and input builder live on the scoring server;
editing this copy changes nothing except your own understanding.
"""

import jax, jax.numpy as jnp
import numpy as np


def setup_inputs(seed: int = 0) -> dict:
    key = jax.random.key(seed)
    k1, k2 = jax.random.split(key, 2)
    bs, regions, d = 4096, 41, 128
    x = jax.random.normal(k1, (bs, regions, d), dtype=jnp.float32)
    # Dense(1) parameters: kernel (d, 1), bias (1,) (Keras default glorot-ish scale)
    W = jax.random.normal(k2, (d, 1), dtype=jnp.float32) * (1.0 / np.sqrt(d))
    b = jnp.zeros((1,), dtype=jnp.float32)
    return {"x": x, "W": W, "b": b}


def reference(x, W, b):
    # attn_vals = Dense(1)(x): (bs, 41, 1)
    attn_vals = jnp.einsum('brd,do->bro', x, W) + b
    # Softmax(axis=-1) over the singleton last dim (faithful to original: yields all ones)
    attn_vals = jax.nn.softmax(attn_vals, axis=-1)
    # argmax over region axis=1: (bs, 1)
    amax = jnp.argmax(attn_vals, axis=1)
    bs, regions, d = x.shape
    # tf.gather(x, amax, batch_dims=1) -> (bs, 1, d)
    idx = jnp.broadcast_to(amax[:, :, None], (bs, 1, d))
    out = jnp.take_along_axis(x, idx, axis=1)
    # squeeze axis 1 -> (bs, d)
    return jnp.squeeze(out, axis=1)

if __name__ == "__main__":
    import jax
    _d = setup_inputs()
    print(jax.jit(kernel)(*tuple(_d.values())))

</pallas_src>

<mosaic_0001>
#map = affine_map<(d0) -> (0, 0, 0)>
#map1 = affine_map<(d0) -> (0, 0)>
module attributes {stable_mosaic.version = 14 : i64} {
  func.func @first_region_gather(%arg0: i32, %arg1: memref<41x4096x128xf32, #tpu.memory_space<hbm>>, %arg2: memref<4096x128xf32, #tpu.memory_space<hbm>>, %arg3: memref<2048x128xf32, #tpu.memory_space<vmem_shared>>, %arg4: memref<!tpu.dma_semaphore, #tpu.memory_space<semaphore_mem>>, %arg5: memref<!tpu.dma_semaphore, #tpu.memory_space<semaphore_mem>>) attributes {dimension_semantics = [#tpu.dimension_semantics<core_parallel>], iteration_bounds = array<i64: 2>, scalar_prefetch = 0 : i64, scratch_operands = 3 : i64, tpu.core_type = #tpu.core_type<sc_scalar_subcore>, window_params = [{transform_indices = #map}, {transform_indices = #map1}]} {
    %mul3A = arith.constant 2048 : i32
    %mul3A_0 = arith.muli %arg0, %mul3A : i32
    %add3A = arith.constant 0 : i32
    %add3A_1 = arith.addi %mul3A_0, %add3A : i32
    %dma_start3A = arith.constant 0 : i32
    %dma_start3A_2 = arith.constant 0 : i32
    %dma_start3A_3 = arith.constant 0 : i32
    %dma_start3A_4 = tpu.memref_slice %arg3[%dma_start3A_2, %dma_start3A_3] : memref<2048x128xf32, #tpu.memory_space<vmem_shared>> -> memref<512x128xf32, #tpu.memory_space<vmem_shared>>
    %dma_start3A_5 = arith.constant 0 : i32
    %dma_start3A_6 = tpu.memref_slice %arg1[%dma_start3A, %add3A_1, %dma_start3A_5] : memref<41x4096x128xf32, #tpu.memory_space<hbm>> -> memref<1x512x128xf32, #tpu.memory_space<hbm>>
    %dma_start3A_7 = tpu.memref_squeeze %dma_start3A_6 : memref<1x512x128xf32, #tpu.memory_space<hbm>> -> memref<512x128xf32, #tpu.memory_space<hbm>>
    tpu.enqueue_dma source(%dma_start3A_7 : memref<512x128xf32, #tpu.memory_space<hbm>>) target(%dma_start3A_4 : memref<512x128xf32, #tpu.memory_space<vmem_shared>>) target_semaphore(%arg4 : memref<!tpu.dma_semaphore, #tpu.memory_space<semaphore_mem>>)
    %add3A_8 = arith.constant 512 : i32
    %add3A_9 = arith.addi %mul3A_0, %add3A_8 : i32
    %dma_start3A_10 = arith.constant 0 : i32
    %dma_start3A_11 = arith.constant 512 : i32
    %dma_start3A_12 = arith.constant 0 : i32
    %dma_start3A_13 = tpu.memref_slice %arg3[%dma_start3A_11, %dma_start3A_12] : memref<2048x128xf32, #tpu.memory_space<vmem_shared>> -> memref<512x128xf32, #tpu.memory_space<vmem_shared>>
    %dma_start3A_14 = arith.constant 0 : i32
    %dma_start3A_15 = tpu.memref_slice %arg1[%dma_start3A_10, %add3A_9, %dma_start3A_14] : memref<41x4096x128xf32, #tpu.memory_space<hbm>> -> memref<1x512x128xf32, #tpu.memory_space<hbm>>
    %dma_start3A_16 = tpu.memref_squeeze %dma_start3A_15 : memref<1x512x128xf32, #tpu.memory_space<hbm>> -> memref<512x128xf32, #tpu.memory_space<hbm>>
    tpu.enqueue_dma source(%dma_start3A_16 : memref<512x128xf32, #tpu.memory_space<hbm>>) target(%dma_start3A_13 : memref<512x128xf32, #tpu.memory_space<vmem_shared>>) target_semaphore(%arg4 : memref<!tpu.dma_semaphore, #tpu.memory_space<semaphore_mem>>)
    %add3A_17 = arith.constant 1024 : i32
    %add3A_18 = arith.addi %mul3A_0, %add3A_17 : i32
    %dma_start3A_19 = arith.constant 0 : i32
    %dma_start3A_20 = arith.constant 1024 : i32
    %dma_start3A_21 = arith.constant 0 : i32
    %dma_start3A_22 = tpu.memref_slice %arg3[%dma_start3A_20, %dma_start3A_21] : memref<2048x128xf32, #tpu.memory_space<vmem_shared>> -> memref<512x128xf32, #tpu.memory_space<vmem_shared>>
    %dma_start3A_23 = arith.constant 0 : i32
    %dma_start3A_24 = tpu.memref_slice %arg1[%dma_start3A_19, %add3A_18, %dma_start3A_23] : memref<41x4096x128xf32, #tpu.memory_space<hbm>> -> memref<1x512x128xf32, #tpu.memory_space<hbm>>
    %dma_start3A_25 = tpu.memref_squeeze %dma_start3A_24 : memref<1x512x128xf32, #tpu.memory_space<hbm>> -> memref<512x128xf32, #tpu.memory_space<hbm>>
    tpu.enqueue_dma source(%dma_start3A_25 : memref<512x128xf32, #tpu.memory_space<hbm>>) target(%dma_start3A_22 : memref<512x128xf32, #tpu.memory_space<vmem_shared>>) target_semaphore(%arg4 : memref<!tpu.dma_semaphore, #tpu.memory_space<semaphore_mem>>)
    %add3A_26 = arith.constant 1536 : i32
    %add3A_27 = arith.addi %mul3A_0, %add3A_26 : i32
    %dma_start3A_28 = arith.constant 0 : i32
    %dma_start3A_29 = arith.constant 1536 : i32
    %dma_start3A_30 = arith.constant 0 : i32
    %dma_start3A_31 = tpu.memref_slice %arg3[%dma_start3A_29, %dma_start3A_30] : memref<2048x128xf32, #tpu.memory_space<vmem_shared>> -> memref<512x128xf32, #tpu.memory_space<vmem_shared>>
    %dma_start3A_32 = arith.constant 0 : i32
    %dma_start3A_33 = tpu.memref_slice %arg1[%dma_start3A_28, %add3A_27, %dma_start3A_32] : memref<41x4096x128xf32, #tpu.memory_space<hbm>> -> memref<1x512x128xf32, #tpu.memory_space<hbm>>
    %dma_start3A_34 = tpu.memref_squeeze %dma_start3A_33 : memref<1x512x128xf32, #tpu.memory_space<hbm>> -> memref<512x128xf32, #tpu.memory_space<hbm>>
    tpu.enqueue_dma source(%dma_start3A_34 : memref<512x128xf32, #tpu.memory_space<hbm>>) target(%dma_start3A_31 : memref<512x128xf32, #tpu.memory_space<vmem_shared>>) target_semaphore(%arg4 : memref<!tpu.dma_semaphore, #tpu.memory_space<semaphore_mem>>)
    %dma_wait3A = arith.constant 0 : i32
    %dma_wait3A_35 = arith.constant 0 : i32
    %dma_wait3A_36 = arith.constant 0 : i32
    %dma_wait3A_37 = tpu.memref_slice %arg3[%dma_wait3A_35, %dma_wait3A_36] : memref<2048x128xf32, #tpu.memory_space<vmem_shared>> -> memref<512x128xf32, #tpu.memory_space<vmem_shared>>
    %dma_wait3A_38 = arith.constant 0 : i32
    %dma_wait3A_39 = tpu.memref_slice %arg1[%dma_wait3A, %add3A_1, %dma_wait3A_38] : memref<41x4096x128xf32, #tpu.memory_space<hbm>> -> memref<1x512x128xf32, #tpu.memory_space<hbm>>
    %dma_wait3A_40 = tpu.memref_squeeze %dma_wait3A_39 : memref<1x512x128xf32, #tpu.memory_space<hbm>> -> memref<512x128xf32, #tpu.memory_space<hbm>>
    tpu.wait_dma2 semaphore(%arg4 : memref<!tpu.dma_semaphore, #tpu.memory_space<semaphore_mem>>) src(%dma_wait3A_40 : memref<512x128xf32, #tpu.memory_space<hbm>>) dst(%dma_wait3A_37 : memref<512x128xf32, #tpu.memory_space<vmem_shared>>)
    %add3A_41 = arith.constant 0 : i32
    %add3A_42 = arith.addi %mul3A_0, %add3A_41 : i32
    %dma_start3A_43 = arith.constant 0 : i32
    %dma_start3A_44 = tpu.memref_slice %arg2[%add3A_42, %dma_start3A_43] : memref<4096x128xf32, #tpu.memory_space<hbm>> -> memref<512x128xf32, #tpu.memory_space<hbm>>
    %dma_start3A_45 = arith.constant 0 : i32
    %dma_start3A_46 = arith.constant 0 : i32
    %dma_start3A_47 = tpu.memref_slice %arg3[%dma_start3A_45, %dma_start3A_46] : memref<2048x128xf32, #tpu.memory_space<vmem_shared>> -> memref<512x128xf32, #tpu.memory_space<vmem_shared>>
    tpu.enqueue_dma source(%dma_start3A_47 : memref<512x128xf32, #tpu.memory_space<vmem_shared>>) target(%dma_start3A_44 : memref<512x128xf32, #tpu.memory_space<hbm>>) target_semaphore(%arg5 : memref<!tpu.dma_semaphore, #tpu.memory_space<semaphore_mem>>)
    %dma_wait3A_48 = arith.constant 0 : i32
    %dma_wait3A_49 = arith.constant 512 : i32
    %dma_wait3A_50 = arith.constant 0 : i32
    %dma_wait3A_51 = tpu.memref_slice %arg3[%dma_wait3A_49, %dma_wait3A_50] : memref<2048x128xf32, #tpu.memory_space<vmem_shared>> -> memref<512x128xf32, #tpu.memory_space<vmem_shared>>
    %dma_wait3A_52 = arith.constant 0 : i32
    %dma_wait3A_53 = tpu.memref_slice %arg1[%dma_wait3A_48, %add3A_9, %dma_wait3A_52] : memref<41x4096x128xf32, #tpu.memory_space<hbm>> -> memref<1x512x128xf32, #tpu.memory_space<hbm>>
    %dma_wait3A_54 = tpu.memref_squeeze %dma_wait3A_53 : memref<1x512x128xf32, #tpu.memory_space<hbm>> -> memref<512x128xf32, #tpu.memory_space<hbm>>
    tpu.wait_dma2 semaphore(%arg4 : memref<!tpu.dma_semaphore, #tpu.memory_space<semaphore_mem>>) src(%dma_wait3A_54 : memref<512x128xf32, #tpu.memory_space<hbm>>) dst(%dma_wait3A_51 : memref<512x128xf32, #tpu.memory_space<vmem_shared>>)
    %add3A_55 = arith.constant 512 : i32
    %add3A_56 = arith.addi %mul3A_0, %add3A_55 : i32
    %dma_start3A_57 = arith.constant 0 : i32
    %dma_start3A_58 = tpu.memref_slice %arg2[%add3A_56, %dma_start3A_57] : memref<4096x128xf32, #tpu.memory_space<hbm>> -> memref<512x128xf32, #tpu.memory_space<hbm>>
    %dma_start3A_59 = arith.constant 512 : i32
    %dma_start3A_60 = arith.constant 0 : i32
    %dma_start3A_61 = tpu.memref_slice %arg3[%dma_start3A_59, %dma_start3A_60] : memref<2048x128xf32, #tpu.memory_space<vmem_shared>> -> memref<512x128xf32, #tpu.memory_space<vmem_shared>>
    tpu.enqueue_dma source(%dma_start3A_61 : memref<512x128xf32, #tpu.memory_space<vmem_shared>>) target(%dma_start3A_58 : memref<512x128xf32, #tpu.memory_space<hbm>>) target_semaphore(%arg5 : memref<!tpu.dma_semaphore, #tpu.memory_space<semaphore_mem>>)
    %dma_wait3A_62 = arith.constant 0 : i32
    %dma_wait3A_63 = arith.constant 1024 : i32
    %dma_wait3A_64 = arith.constant 0 : i32
    %dma_wait3A_65 = tpu.memref_slice %arg3[%dma_wait3A_63, %dma_wait3A_64] : memref<2048x128xf32, #tpu.memory_space<vmem_shared>> -> memref<512x128xf32, #tpu.memory_space<vmem_shared>>
    %dma_wait3A_66 = arith.constant 0 : i32
    %dma_wait3A_67 = tpu.memref_slice %arg1[%dma_wait3A_62, %add3A_18, %dma_wait3A_66] : memref<41x4096x128xf32, #tpu.memory_space<hbm>> -> memref<1x512x128xf32, #tpu.memory_space<hbm>>
    %dma_wait3A_68 = tpu.memref_squeeze %dma_wait3A_67 : memref<1x512x128xf32, #tpu.memory_space<hbm>> -> memref<512x128xf32, #tpu.memory_space<hbm>>
    tpu.wait_dma2 semaphore(%arg4 : memref<!tpu.dma_semaphore, #tpu.memory_space<semaphore_mem>>) src(%dma_wait3A_68 : memref<512x128xf32, #tpu.memory_space<hbm>>) dst(%dma_wait3A_65 : memref<512x128xf32, #tpu.memory_space<vmem_shared>>)
    %add3A_69 = arith.constant 1024 : i32
    %add3A_70 = arith.addi %mul3A_0, %add3A_69 : i32
    %dma_start3A_71 = arith.constant 0 : i32
    %dma_start3A_72 = tpu.memref_slice %arg2[%add3A_70, %dma_start3A_71] : memref<4096x128xf32, #tpu.memory_space<hbm>> -> memref<512x128xf32, #tpu.memory_space<hbm>>
    %dma_start3A_73 = arith.constant 1024 : i32
    %dma_start3A_74 = arith.constant 0 : i32
    %dma_start3A_75 = tpu.memref_slice %arg3[%dma_start3A_73, %dma_start3A_74] : memref<2048x128xf32, #tpu.memory_space<vmem_shared>> -> memref<512x128xf32, #tpu.memory_space<vmem_shared>>
    tpu.enqueue_dma source(%dma_start3A_75 : memref<512x128xf32, #tpu.memory_space<vmem_shared>>) target(%dma_start3A_72 : memref<512x128xf32, #tpu.memory_space<hbm>>) target_semaphore(%arg5 : memref<!tpu.dma_semaphore, #tpu.memory_space<semaphore_mem>>)
    %dma_wait3A_76 = arith.constant 0 : i32
    %dma_wait3A_77 = arith.constant 1536 : i32
    %dma_wait3A_78 = arith.constant 0 : i32
    %dma_wait3A_79 = tpu.memref_slice %arg3[%dma_wait3A_77, %dma_wait3A_78] : memref<2048x128xf32, #tpu.memory_space<vmem_shared>> -> memref<512x128xf32, #tpu.memory_space<vmem_shared>>
    %dma_wait3A_80 = arith.constant 0 : i32
    %dma_wait3A_81 = tpu.memref_slice %arg1[%dma_wait3A_76, %add3A_27, %dma_wait3A_80] : memref<41x4096x128xf32, #tpu.memory_space<hbm>> -> memref<1x512x128xf32, #tpu.memory_space<hbm>>
    %dma_wait3A_82 = tpu.memref_squeeze %dma_wait3A_81 : memref<1x512x128xf32, #tpu.memory_space<hbm>> -> memref<512x128xf32, #tpu.memory_space<hbm>>
    tpu.wait_dma2 semaphore(%arg4 : memref<!tpu.dma_semaphore, #tpu.memory_space<semaphore_mem>>) src(%dma_wait3A_82 : memref<512x128xf32, #tpu.memory_space<hbm>>) dst(%dma_wait3A_79 : memref<512x128xf32, #tpu.memory_space<vmem_shared>>)
    %add3A_83 = arith.constant 1536 : i32
    %add3A_84 = arith.addi %mul3A_0, %add3A_83 : i32
    %dma_start3A_85 = arith.constant 0 : i32
    %dma_start3A_86 = tpu.memref_slice %arg2[%add3A_84, %dma_start3A_85] : memref<4096x128xf32, #tpu.memory_space<hbm>> -> memref<512x128xf32, #tpu.memory_space<hbm>>
    %dma_start3A_87 = arith.constant 1536 : i32
    %dma_start3A_88 = arith.constant 0 : i32
    %dma_start3A_89 = tpu.memref_slice %arg3[%dma_start3A_87, %dma_start3A_88] : memref<2048x128xf32, #tpu.memory_space<vmem_shared>> -> memref<512x128xf32, #tpu.memory_space<vmem_shared>>
    tpu.enqueue_dma source(%dma_start3A_89 : memref<512x128xf32, #tpu.memory_space<vmem_shared>>) target(%dma_start3A_86 : memref<512x128xf32, #tpu.memory_space<hbm>>) target_semaphore(%arg5 : memref<!tpu.dma_semaphore, #tpu.memory_space<semaphore_mem>>)
    %dma_wait3A_90 = arith.constant 0 : i32
    %dma_wait3A_91 = tpu.memref_slice %arg2[%add3A_42, %dma_wait3A_90] : memref<4096x128xf32, #tpu.memory_space<hbm>> -> memref<512x128xf32, #tpu.memory_space<hbm>>
    %dma_wait3A_92 = arith.constant 0 : i32
    %dma_wait3A_93 = arith.constant 0 : i32
    %dma_wait3A_94 = tpu.memref_slice %arg3[%dma_wait3A_92, %dma_wait3A_93] : memref<2048x128xf32, #tpu.memory_space<vmem_shared>> -> memref<512x128xf32, #tpu.memory_space<vmem_shared>>
    tpu.wait_dma2 semaphore(%arg5 : memref<!tpu.dma_semaphore, #tpu.memory_space<semaphore_mem>>) src(%dma_wait3A_94 : memref<512x128xf32, #tpu.memory_space<vmem_shared>>) dst(%dma_wait3A_91 : memref<512x128xf32, #tpu.memory_space<hbm>>)
    %dma_wait3A_95 = arith.constant 0 : i32
    %dma_wait3A_96 = tpu.memref_slice %arg2[%add3A_56, %dma_wait3A_95] : memref<4096x128xf32, #tpu.memory_space<hbm>> -> memref<512x128xf32, #tpu.memory_space<hbm>>
    %dma_wait3A_97 = arith.constant 512 : i32
    %dma_wait3A_98 = arith.constant 0 : i32
    %dma_wait3A_99 = tpu.memref_slice %arg3[%dma_wait3A_97, %dma_wait3A_98] : memref<2048x128xf32, #tpu.memory_space<vmem_shared>> -> memref<512x128xf32, #tpu.memory_space<vmem_shared>>
    tpu.wait_dma2 semaphore(%arg5 : memref<!tpu.dma_semaphore, #tpu.memory_space<semaphore_mem>>) src(%dma_wait3A_99 : memref<512x128xf32, #tpu.memory_space<vmem_shared>>) dst(%dma_wait3A_96 : memref<512x128xf32, #tpu.memory_space<hbm>>)
    %dma_wait3A_100 = arith.constant 0 : i32
    %dma_wait3A_101 = tpu.memref_slice %arg2[%add3A_70, %dma_wait3A_100] : memref<4096x128xf32, #tpu.memory_space<hbm>> -> memref<512x128xf32, #tpu.memory_space<hbm>>
    %dma_wait3A_102 = arith.constant 1024 : i32
    %dma_wait3A_103 = arith.constant 0 : i32
    %dma_wait3A_104 = tpu.memref_slice %arg3[%dma_wait3A_102, %dma_wait3A_103] : memref<2048x128xf32, #tpu.memory_space<vmem_shared>> -> memref<512x128xf32, #tpu.memory_space<vmem_shared>>
    tpu.wait_dma2 semaphore(%arg5 : memref<!tpu.dma_semaphore, #tpu.memory_space<semaphore_mem>>) src(%dma_wait3A_104 : memref<512x128xf32, #tpu.memory_space<vmem_shared>>) dst(%dma_wait3A_101 : memref<512x128xf32, #tpu.memory_space<hbm>>)
    %dma_wait3A_105 = arith.constant 0 : i32
    %dma_wait3A_106 = tpu.memref_slice %arg2[%add3A_84, %dma_wait3A_105] : memref<4096x128xf32, #tpu.memory_space<hbm>> -> memref<512x128xf32, #tpu.memory_space<hbm>>
    %dma_wait3A_107 = arith.constant 1536 : i32
    %dma_wait3A_108 = arith.constant 0 : i32
    %dma_wait3A_109 = tpu.memref_slice %arg3[%dma_wait3A_107, %dma_wait3A_108] : memref<2048x128xf32, #tpu.memory_space<vmem_shared>> -> memref<512x128xf32, #tpu.memory_space<vmem_shared>>
    tpu.wait_dma2 semaphore(%arg5 : memref<!tpu.dma_semaphore, #tpu.memory_space<semaphore_mem>>) src(%dma_wait3A_109 : memref<512x128xf32, #tpu.memory_space<vmem_shared>>) dst(%dma_wait3A_106 : memref<512x128xf32, #tpu.memory_space<hbm>>)
    return
  }
}

</mosaic_0001>

<sc_bundles>
// kernel: kernel.3.cloned.1.call-start
scs
__scs_entry_jumppad:
0x0: {  	(pc) =	sbr.rel $0x88, $3  }
0x1: {  	(tag) =	ssettag $0x0;
	lr =	simm.s32 $0x1  }
0x2: {  	[smem:$0x3FA0] =	sst lr;
	_ =	strace $0xD0000000  }
0x3: {  	_ = 	snop  }
0x4: {  	_ = 	snop  }
0x5: {  	_ = 	snop  }
0x6: {  	_ = 	snop  }
0x7: {  	_ = 	snop  }
__scs_overlays_trampoline_lowered:
0x8: {  	[smem:$0x3FAF] =	sst s0  }
0x9: {  	[smem:$0x3FB0] =	sst s1  }
0xa: {  	[smem:$0x3FB1] =	sst s2  }
0xb: {  	[smem:$0x3FB2] =	sst s3  }
0xc: {  	[smem:$0x3FB3] =	sst s4  }
0xd: {  	[smem:$0x3FB4] =	sst s5  }
0xe: {  	[smem:$0x3FB5] =	sst s6  }
0xf: {  	[smem:$0x3FB6] =	sst s7  }
0x10: {  	[smem:$0x3FB7] =	sst s8  }
0x11: {  	[smem:$0x3FB8] =	sst s9;
	s0 =	simm.s32 @!p0 $0x0  }
0x12: {  	s1 =	sld [smem:$0x3F9E];
	s0 =	simm.s32 @p0 $0x1  }
0x13: {  	[smem:$0x3FB9] =	sst s0;
	s0 =	simm.s32 @!p1 $0x0  }
0x14: {  	s2 =	sld [smem:$0x3F9D];
	s0 =	simm.s32 @p1 $0x1  }
0x15: {  	[smem:$0x3FBA] =	sst s0;
	s0 =	simm.s32 @!p2 $0x0  }
0x16: {  	s3 =	sld [smem:$0x3FDB];
	s0 =	simm.s32 @p2 $0x1  }
0x17: {  	s4 =	simm.s32 $0x1BF5;
	[smem:$0x3FBC] =	sst s0  }
0x18: {  	s0 =	sld [smem:$0x3F9F];
	_ =	swait.ge [sflag:s4], $0x0  }
0x19: {  	s7 =	sld [smem:$0x3FA0]  }
0x1a: {  	s8 =	sadd.s32 $0xFFFFE003, lr  }
0x1b: {  	s9 =	sadd.s32 $0xFFFFFEF7, lr;
	s5 =	simm.s32 $0xFFFFFFFF;
	p2 =	slt.u32 s8, $0xFFFFF086  }
0x1c: {  	p1 =	slt.u32 s9, $0xF7A;
	s5 =	simm.s32 @!p2 $0x0  }
0x1d: {  	s5 =	simm.s32 @p1 $0x1;
	p0 =	seq.s32 s7, s2  }
0x1e: {  	s7 =	smul.u32 @!p0 $0xF7A, s2;
	p2 =	seq.s32 @!p0 s5, $0x0  }
0x1f: {  	s9 =	smul.u32 $0xF7A, s1;
	s8 =	simm.s32 @!p0 $0x1BF5;
	p2 =	por !p2, p0  }
0x20: {  	[sflag:s8] =	ssyncset.s32 @!p0 $0xFFFFF086;
	s6 =	sadd.s32 @!p0 s3, s7;
	s7 =	simm.s32 @!p0 $0x108  }
0x21: {  	s3 =	sadd.s32 s3, s9;
	s6 =	sadd.s32 @!p0 $0x88, s6;
	s7 =	simm.s32 @p2 $0x1082  }
0x22: {  	[simem:s7], [sflag:s8] =	dma.local @!p0 [hbm:s6], $0xF7A  }
0x23: {  	s9 =	sor.u32 $0xD0000000, s2;
	s6 =	simm.s32 $0x108;
	_ =	swait.ge @!p0 [sflag:s8], $0x0  }
0x24: {  	s3 =	sadd.s32 $0x88, s3;
	s6 =	simm.s32 @!p1 $0x1082;
	[sflag:s4] =	ssyncset.s32 $0xFFFFF086  }
0x25: {  	[simem:s6], [sflag:s4] =	dma.local [hbm:s3], $0xF7A  }
0x26: {  	[smem:$0x3FA0] =	sst s1;
	(tag) =	ssettag s2;
	_ =	strace s9  }
0x27: {  	s1 =	sld [smem:$0x3FB0]  }
0x28: {  	s2 =	sld [smem:$0x3FB1]  }
0x29: {  	s4 =	sld [smem:$0x3FB3]  }
0x2a: {  	p0 =	seq.s32 s5, $0x0;
	s5 =	sld [smem:$0x3FB4]  }
0x2b: {  	s6 =	sld [smem:$0x3FB5]  }
0x2c: {  	s7 =	sld [smem:$0x3FB6]  }
0x2d: {  	s3 =	simm.s32 $0x108;
	s8 =	sld [smem:$0x3FB7]  }
0x2e: {  	s3 =	simm.s32 @!p0 $0x1082;
	s9 =	sld [smem:$0x3FB8]  }
0x2f: {  	lr =	sadd.s32 s0, s3;
	s0 =	sld [smem:$0x3FAF]  }
0x30: {  	s3 =	sld [smem:$0x3FB2]  }
0x31: {  	[smem:$0x3FBB] =	sst s10  }
0x32: {  	s10 =	sld [smem:$0x3FB9];
	_ =	sdelay $0x3  }
0x33: {  	p0 =	seq.s32 s10, $0x1;
	s10 =	sld [smem:$0x3FBB];
	_ =	sdelay $0x3  }
0x34: {  	[smem:$0x3FBB] =	sst s10  }
0x35: {  	s10 =	sld [smem:$0x3FBA];
	_ =	sdelay $0x3  }
0x36: {  	p1 =	seq.s32 s10, $0x1;
	s10 =	sld [smem:$0x3FBB];
	_ =	sdelay $0x3  }
0x37: {  	[smem:$0x3FBB] =	sst s10  }
0x38: {  	s10 =	sld [smem:$0x3FBC]  }
0x39: {  	_ = 	snop;
	(pc) =	sbr.ind lr, $3  }
0x3a: {  	_ = 	snop  }
0x3b: {  	_ = 	snop  }
0x3c: {  	p2 =	seq.s32 s10, $0x1;
	s10 =	sld [smem:$0x3FBB]  }
0x3d: {  	_ =	shalt  }
0x3e: {  	_ =	shalt  }
0x3f: {  	_ =	shalt  }
0x40: {  	_ =	shalt  }
0x41: {  	_ =	shalt  }
0x42: {  	_ =	shalt  }
0x43: {  	_ =	shalt  }
0x44: {  	_ =	shalt  }
0x45: {  	_ =	shalt  }
0x46: {  	_ =	shalt  }
0x47: {  	_ =	shalt  }
0x48: {  	_ =	shalt  }
0x49: {  	_ =	shalt  }
0x4a: {  	_ =	shalt  }
0x4b: {  	_ =	shalt  }
0x4c: {  	_ =	shalt  }
0x4d: {  	_ =	shalt  }
0x4e: {  	_ =	shalt  }
0x4f: {  	_ =	shalt  }
0x50: {  	_ =	shalt  }
0x51: {  	_ =	shalt  }
0x52: {  	_ =	shalt  }
0x53: {  	_ =	shalt  }
0x54: {  	_ =	shalt  }
0x55: {  	_ =	shalt  }
0x56: {  	_ =	shalt  }
0x57: {  	_ =	shalt  }
0x58: {  	_ =	shalt  }
0x59: {  	_ =	shalt  }
0x5a: {  	_ =	shalt  }
0x5b: {  	_ =	shalt  }
0x5c: {  	_ =	shalt  }
0x5d: {  	_ =	shalt  }
0x5e: {  	_ =	shalt  }
0x5f: {  	_ =	shalt  }
0x60: {  	_ =	shalt  }
0x61: {  	_ =	shalt  }
0x62: {  	_ =	shalt  }
0x63: {  	_ =	shalt  }
0x64: {  	_ =	shalt  }
0x65: {  	_ =	shalt  }
0x66: {  	_ =	shalt  }
0x67: {  	_ =	shalt  }
0x68: {  	_ =	shalt  }
0x69: {  	_ =	shalt  }
0x6a: {  	_ =	shalt  }
0x6b: {  	_ =	shalt  }
0x6c: {  	_ =	shalt  }
0x6d: {  	_ =	shalt  }
0x6e: {  	_ =	shalt  }
0x6f: {  	_ =	shalt  }
0x70: {  	_ =	shalt  }
0x71: {  	_ =	shalt  }
0x72: {  	_ =	shalt  }
0x73: {  	_ =	shalt  }
0x74: {  	_ =	shalt  }
0x75: {  	_ =	shalt  }
0x76: {  	_ =	shalt  }
0x77: {  	_ =	shalt  }
0x78: {  	_ =	shalt  }
0x79: {  	_ =	shalt  }
0x7a: {  	_ =	shalt  }
0x7b: {  	_ =	shalt  }
0x7c: {  	_ =	shalt  }
0x7d: {  	_ =	shalt  }
0x7e: {  	_ =	shalt  }
0x7f: {  	_ =	shalt  }
0x80: {  	_ =	shalt  }
0x81: {  	_ =	shalt  }
0x82: {  	_ =	shalt  }
0x83: {  	_ =	shalt  }
0x84: {  	_ =	shalt  }
0x85: {  	_ =	shalt  }
0x86: {  	_ =	shalt  }
0x87: {  	_ =	shalt  }
.Lfunc_end0:
.L_simem_size_0:
called_computation_lowered:
.L_overlay_start_0:
0x88: {  	s2 =	sld [smem:$0x3FD9]  }
0x89: {  	s3 =	sld [smem:$0x3FFE];
	_ =	sdelay $0x1  }
0x8a: {  	s1 =	srdreg.scid  }
0x8b: {  	s0 =	sand.u32 $0x1, s1  }
0x8c: {  	s16 =	sshll.u32 s0, $0xA;
	s2 =	sadd.s32 s3, s2  }
0x8d: {  	s2 =	sadd.s32 s2, s16  }
0x8e: {  	s4 =	simm.s32 $0x0;
	[smem:$0x3FC7] =	sst s2  }
0x8f: {  	[smem:$0xF] =	sst s4  }
0x90: {  	s2 =	sld [smem:$0x3FC9]  }
0x91: {  	s17 =	sld [smem:$0x3FD0];
	(tm) =	ssettm $0x1  }
0x92: {  	s5 =	sld [smem:$0x3FFB];
	_ =	sdelay $0x3  }
0x93: {  	_ =	strace s5  }
0x94: {  	s5 =	sld [smem:$0x3FFC];
	_ =	sdelay $0x3  }
0x95: {  	_ =	strace s5  }
0x96: {  	s5 =	sld [smem:$0x3FFD];
	_ =	sdelay $0x3  }
0x97: {  	s18 =	simm.s32 $0x1B8B;
	s19 =	simm.s32 $0x1B8E;
	_ =	strace s5  }
0x98: {  	s7 =	simm.s32 $0x9;
	s9 =	simm.s32 $0x2000;
	_ =	strace $0x8FFFFFFF  }
0x99: {  	s11 =	simm.s32 $0x4000;
	s20 =	sshll.u32 s0, $0xF;
	_ =	swait.ge [sflag:s18], $0x1  }
0x9a: {  	s12 =	simm.s32 $0x6000;
	s21 =	sor.u32 $0x2000, s20;
	[sflag:s18] =	ssyncset.done $0x0  }
0x9b: {  	s22 =	sor.u32 $0x4000, s20;
	s23 =	sor.u32 $0x6000, s20;
	[sflag:s18] =	ssyncadd.s32 $0xFFFFFFFF  }
0x9c: {  	s6 =	sadd.s32 s20, s2;
	s8 =	sadd.s32 s21, s2;
	[smem:$0x3FD2] =	sst s19  }
0x9d: {  	s10 =	sadd.s32 s22, s2;
	s2 =	sadd.s32 s23, s2;
	_ =	strace $0x80000046  }
0x9e: {  	[spmem:s4], [sflag:s7] =	dma.local [hbm:s6], $0x2000  }
0x9f: {  	[spmem:s9], [sflag:s7] =	dma.local [hbm:s8], $0x2000  }
0xa0: {  	[spmem:s11], [sflag:s7] =	dma.local [hbm:s10], $0x2000  }
0xa1: {  	[spmem:s12], [sflag:s7] =	dma.local [hbm:s2], $0x2000  }
0xa2: {  	_ =	swait.ge [sflag:s7], $0x2000  }
0xa3: {  	[sflag:s7] =	ssyncset.done $0x0  }
0xa4: {  	[sflag:s7] =	ssyncadd.s32 $0xFFFFE000  }
0xa5: {  	s25 =	simm.s32 $0xA;
	s24 =	sadd.s32 s20, s17  }
0xa6: {  	[hbm:s24], [sflag:s25] =	dma.local [spmem:s4], $0x2000  }
0xa7: {  	_ =	swait.ge [sflag:s7], $0x2000  }
0xa8: {  	[sflag:s7] =	ssyncset.done $0x0  }
0xa9: {  	[sflag:s7] =	ssyncadd.s32 $0xFFFFE000  }
0xaa: {  	s26 =	sadd.s32 s21, s17  }
0xab: {  	[hbm:s26], [sflag:s25] =	dma.local [spmem:s9], $0x2000  }
0xac: {  	_ =	swait.ge [sflag:s7], $0x2000  }
0xad: {  	[sflag:s7] =	ssyncset.done $0x0  }
0xae: {  	[sflag:s7] =	ssyncadd.s32 $0xFFFFE000  }
0xaf: {  	s28 =	sadd.s32 s22, s17  }
0xb0: {  	[hbm:s28], [sflag:s25] =	dma.local [spmem:s11], $0x2000  }
0xb1: {  	_ =	swait.ge [sflag:s7], $0x2000  }
0xb2: {  	[sflag:s7] =	ssyncset.done $0x0  }
0xb3: {  	[sflag:s7] =	ssyncadd.s32 $0xFFFFE000  }
0xb4: {  	s29 =	sadd.s32 s23, s17  }
0xb5: {  	[hbm:s29], [sflag:s25] =	dma.local [spmem:s12], $0x2000  }
0xb6: {  	_ =	swait.ge [sflag:s25], $0x2000  }
0xb7: {  	[sflag:s25] =	ssyncset.done $0x0  }
0xb8: {  	[sflag:s25] =	ssyncadd.s32 $0xFFFFE000;
	_ =	sdelay $0x2  }
0xb9: {  	_ =	swait.ge [sflag:s25], $0x2000  }
0xba: {  	[sflag:s25] =	ssyncset.done $0x0  }
0xbb: {  	[sflag:s25] =	ssyncadd.s32 $0xFFFFE000;
	_ =	sdelay $0x2  }
0xbc: {  	_ =	swait.ge [sflag:s25], $0x2000  }
0xbd: {  	[sflag:s25] =	ssyncset.done $0x0  }
0xbe: {  	[sflag:s25] =	ssyncadd.s32 $0xFFFFE000;
	_ =	sdelay $0x2  }
0xbf: {  	_ =	swait.ge [sflag:s25], $0x2000  }
0xc0: {  	[sflag:s25] =	ssyncset.done $0x0  }
0xc1: {  	[sflag:s25] =	ssyncadd.s32 $0xFFFFE000  }
0xc2: {  	_ =	strace $0x90000046  }
0xc3: {  	_ =	sfence  }
0xc4: {  	s30 =	sld [smem:$0x0];
	_ =	sdelay $0x2  }
0xc5: {  	s31 =	sshll.u32 s1, $0xD;
	s1 =	sshrl.u32 s1, $0x2  }
0xc6: {  	s3 =	sand.u32 $0x4000, s31;
	s1 =	sadd.s32 s1, s30  }
0xc7: {  	s0 =	sor.u32 s3, s0;
	s1 =	sshll.u32 s1, $0x11  }
0xc8: {  	s0 =	sor.u32 s1, s0  }
0xc9: {  	s0 =	sadd.s32 $0x8F2B, s0;
	(pc) =	sbr.abs _section_cstart, $3  }
0xca: {  	[sflag:s0] =	ssyncadd.remote.s32 $0x1  }
0xcb: {  	_ =	strace $0x9FFFFFFF  }
0xcc: {  	(tm) =	ssettm $0x7FFFFFFF  }
0xcd: {  	_ =	shalt  }

</sc_bundles>
